<compile_context>
chip_gen: v7x
topology: tpu7x:2x2x1
jax: 0.10.2.dev20260603
libtpu: 0.0.44.dev20260713+nightly
codegen_flags: <defaults>
</compile_context>

<pallas_src>
import functools
import math

import jax
import jax.numpy as jnp
from jax import lax
from jax.experimental import pallas as pl
from jax.experimental.pallas import tpu as pltpu
from jax.experimental.pallas import tpu_sc as plsc

EMB_DIM = 64
D_MODEL = 768
SCALE = math.sqrt(EMB_DIM)

NC = 2
NS = 16
NW = NC * NS

CHUNK = 128
L = 16


def _sc_gather(table, idx2d, b_per_w):
    n_real = b_per_w // CHUNK
    mesh = plsc.VectorSubcoreMesh(core_axis_name="c", subcore_axis_name="s")

    @functools.partial(
        pl.kernel,
        mesh=mesh,
        out_type=jax.ShapeDtypeStruct(
            (NW * b_per_w // 2, 2 * EMB_DIM), jnp.float32
        ),
        scratch_types=[
            pltpu.VMEM((b_per_w,), jnp.int32),
            pltpu.VMEM((CHUNK, EMB_DIM), jnp.float32),
            pltpu.SemaphoreType.DMA,
        ],
        compiler_params=pltpu.CompilerParams(use_tc_tiling_on_sc=False),
    )
    def gather_kernel(idx_hbm, table_hbm, out_hbm, idx_v, buf0, sem0):
        wid = lax.axis_index("s") * NC + lax.axis_index("c")
        base = wid * b_per_w
        pltpu.sync_copy(idx_hbm.at[wid], idx_v)

        def start_gather(c, buf, sem):
            return pltpu.async_copy(
                table_hbm.at[idx_v.at[pl.ds(c * CHUNK, CHUNK)]], buf, sem
            )

        def finish_store(c, buf):
            j0 = base + c * CHUNK
            blk = jax.lax.shift_right_logical(j0, 11)
            rem = j0 & 2047
            half = jax.lax.shift_right_logical(rem, 10)
            k0 = rem & 1023
            pltpu.sync_copy(
                buf,
                out_hbm.at[
                    pl.ds(blk * 1024 + k0, CHUNK),
                    pl.ds(half * EMB_DIM, EMB_DIM),
                ],
            )

        def body(c, carry):
            start_gather(c, buf0, sem0).wait()
            finish_store(c, buf0)
            return carry

        lax.fori_loop(0, n_real, body, 0)

    return gather_kernel(idx2d, table)


def _mm_body(x_ref, w_ref, b_ref, o_ref):
    bm = x_ref.shape[0]
    y = jnp.dot(x_ref[...], w_ref[...], preferred_element_type=jnp.float32)
    y = y + b_ref[...]
    o_ref[pl.ds(0, bm), :] = y[:, :D_MODEL]
    o_ref[pl.ds(bm, bm), :] = y[:, D_MODEL:]


def _tc_project(x, w2, b2, block_m):
    n2, kdim = x.shape
    return pl.pallas_call(
        _mm_body,
        grid=(n2 // block_m,),
        in_specs=[
            pl.BlockSpec((block_m, kdim), lambda i: (i, 0)),
            pl.BlockSpec((kdim, 2 * D_MODEL), lambda i: (0, 0)),
            pl.BlockSpec((1, 2 * D_MODEL), lambda i: (0, 0)),
        ],
        out_specs=pl.BlockSpec((2 * block_m, D_MODEL), lambda i: (i, 0)),
        out_shape=jax.ShapeDtypeStruct((2 * n2, D_MODEL), jnp.float32),
    )(x, w2, b2)


def kernel(persona, emb_table, proj_w, proj_b):
    batch, hist = persona.shape
    n = batch * hist
    b_per_w = n // NW
    idx2d = persona.astype(jnp.int32).T.reshape(NW, b_per_w)
    packed = _sc_gather(emb_table, idx2d, b_per_w)
    wt8 = jnp.transpose(proj_w) * SCALE
    zz = jnp.zeros_like(wt8)
    w2 = jnp.block([[wt8, zz], [zz, wt8]])
    b2 = jnp.concatenate([proj_b, proj_b]).reshape(1, 2 * D_MODEL)
    out2d = _tc_project(packed, w2, b2, 1024)
    return out2d.reshape(hist, batch, D_MODEL).transpose(1, 0, 2)

# --- scband reference (transcript-rebuilt; emitter-appended) ---
"""Pipeline reference for scband-persona-emb-58677843198331 (READ-ONLY COPY).

The authoritative reference and input builder live on the scoring server;
editing this copy changes nothing except your own understanding.
"""

import math
import jax, jax.numpy as jnp
import numpy as np

VOCAB = 1000000
EMB_DIM = 64
D_MODEL = 768
BATCH = 4096
HIST = 50
PAD_IDX = 0

def setup_inputs(seed: int = 0) -> dict:
    key = jax.random.key(seed)
    k1, k2, k3, k4 = jax.random.split(key, 4)
    persona = jax.random.randint(k1, (BATCH, HIST), 0, VOCAB, dtype=jnp.int64) if jax.config.jax_enable_x64 else jax.random.randint(k1, (BATCH, HIST), 0, VOCAB, dtype=jnp.int32)
    emb_table = jax.random.normal(k2, (VOCAB, EMB_DIM), dtype=jnp.float32) * (1.0 / math.sqrt(EMB_DIM))
    # pad_idx row is zeroed like nn.Embedding(padding_idx=...)
    emb_table = emb_table.at[PAD_IDX].set(0.0)
    # Linear(emb_dim, d_model): weight [d_model, emb_dim], bias [d_model]
    bound = 1.0 / math.sqrt(EMB_DIM)
    proj_w = jax.random.uniform(k3, (D_MODEL, EMB_DIM), dtype=jnp.float32, minval=-bound, maxval=bound)
    proj_b = jax.random.uniform(k4, (D_MODEL,), dtype=jnp.float32, minval=-bound, maxval=bound)
    return {"persona": persona, "emb_table": emb_table, "proj_w": proj_w, "proj_b": proj_b}

def reference(persona, emb_table, proj_w, proj_b):
    # emb = self.emb(persona) * sqrt(emb_dim)
    emb = jnp.take(emb_table, persona, axis=0) * math.sqrt(EMB_DIM)
    # emb = self.proj(emb)
    out = emb @ proj_w.T + proj_b
    return out

if __name__ == "__main__":
    import jax
    _d = setup_inputs()
    print(jax.jit(kernel)(*tuple(_d.values())))

</pallas_src>

<mosaic_0001>
#map = affine_map<(d0, d1) -> (0, 0)>
module attributes {stable_mosaic.version = 14 : i64} {
  func.func @gather_kernel(%arg0: i32, %arg1: i32, %arg2: memref<32x6400xi32, #tpu.memory_space<hbm>>, %arg3: memref<1000000x64xf32, #tpu.memory_space<hbm>>, %arg4: memref<102400x128xf32, #tpu.memory_space<hbm>>, %arg5: memref<6400xi32, #tpu.memory_space<vmem>>, %arg6: memref<128x64xf32, #tpu.memory_space<vmem>>, %arg7: memref<!tpu.dma_semaphore, #tpu.memory_space<semaphore_mem>>) attributes {dimension_semantics = [#tpu.dimension_semantics<core_parallel>, #tpu.dimension_semantics<subcore_parallel>], iteration_bounds = array<i64: 2, 16>, scalar_prefetch = 0 : i64, scratch_operands = 3 : i64, tpu.core_type = #tpu.core_type<sc_vector_subcore>, window_params = [{transform_indices = #map}, {transform_indices = #map}, {transform_indices = #map}]} {
    %mul3A = arith.constant 2 : i32
    %mul3A_0 = arith.muli %arg1, %mul3A : i32
    %add3A = arith.addi %mul3A_0, %arg0 : i32
    %mul3A_1 = arith.constant 6400 : i32
    %mul3A_2 = arith.muli %add3A, %mul3A_1 : i32
    "tpu.region"() ({
      %run_scoped3A = tpu.sem_alloc : memref<!tpu.dma_semaphore, #tpu.memory_space<semaphore_mem>>
      %dma_start3A = arith.constant 0 : i32
      %dma_start3A_8 = tpu.memref_slice %arg2[%add3A, %dma_start3A] : memref<32x6400xi32, #tpu.memory_space<hbm>> -> memref<1x6400xi32, #tpu.memory_space<hbm>>
      %dma_start3A_9 = tpu.memref_squeeze %dma_start3A_8 : memref<1x6400xi32, #tpu.memory_space<hbm>> -> memref<6400xi32, #tpu.memory_space<hbm>>
      %dma_start3A_10 = arith.constant 0 : i32
      %dma_start3A_11 = tpu.memref_slice %arg2[%add3A, %dma_start3A_10] : memref<32x6400xi32, #tpu.memory_space<hbm>> -> memref<1x6400xi32, #tpu.memory_space<hbm>>
      %dma_start3A_12 = tpu.memref_squeeze %dma_start3A_11 : memref<1x6400xi32, #tpu.memory_space<hbm>> -> memref<6400xi32, #tpu.memory_space<hbm>>
      tpu.enqueue_dma source(%dma_start3A_12 : memref<6400xi32, #tpu.memory_space<hbm>>) target(%arg5 : memref<6400xi32, #tpu.memory_space<vmem>>) target_semaphore(%run_scoped3A : memref<!tpu.dma_semaphore, #tpu.memory_space<semaphore_mem>>)
      %dma_wait3A = arith.constant 0 : i32
      %dma_wait3A_13 = tpu.memref_slice %arg2[%add3A, %dma_wait3A] : memref<32x6400xi32, #tpu.memory_space<hbm>> -> memref<1x6400xi32, #tpu.memory_space<hbm>>
      %dma_wait3A_14 = tpu.memref_squeeze %dma_wait3A_13 : memref<1x6400xi32, #tpu.memory_space<hbm>> -> memref<6400xi32, #tpu.memory_space<hbm>>
      %dma_wait3A_15 = arith.constant 0 : i32
      %dma_wait3A_16 = tpu.memref_slice %arg2[%add3A, %dma_wait3A_15] : memref<32x6400xi32, #tpu.memory_space<hbm>> -> memref<1x6400xi32, #tpu.memory_space<hbm>>
      %dma_wait3A_17 = tpu.memref_squeeze %dma_wait3A_16 : memref<1x6400xi32, #tpu.memory_space<hbm>> -> memref<6400xi32, #tpu.memory_space<hbm>>
      tpu.wait_dma2 semaphore(%run_scoped3A : memref<!tpu.dma_semaphore, #tpu.memory_space<semaphore_mem>>) src(%dma_wait3A_17 : memref<6400xi32, #tpu.memory_space<hbm>>) dst(%arg5 : memref<6400xi32, #tpu.memory_space<vmem>>)
      tpu.yield
    }) : () -> ()
    %scan3A = arith.constant 0 : i32
    %scan3A_3 = arith.constant 0 : i32
    %scan3A_4 = arith.constant 50 : i32
    %scan3A_5 = arith.addi %scan3A_3, %scan3A_4 : i32
    %scan3A_6 = arith.constant 1 : i32
    scf.for %scan3A_8 = %scan3A_3 to %scan3A_5 step %scan3A_6  : i32 {
      %mul3A_9 = arith.constant 128 : i32
      %mul3A_10 = arith.muli %scan3A_8, %mul3A_9 : i32
      %dma_start3A = tpu.memref_slice %arg5[%mul3A_10] : memref<6400xi32, #tpu.memory_space<vmem>> -> memref<128xi32, #tpu.memory_space<vmem>>
      %dma_start3A_11 = arith.constant 0 : i32
      %dma_start3A_12 = arith.constant 0 : i32
      %dma_start3A_13 = tpu.memref_slice %arg3[%dma_start3A_11, %dma_start3A_12] : memref<1000000x64xf32, #tpu.memory_space<hbm>> -> memref<1000000x64xf32, #tpu.memory_space<hbm>>
      tpu.enqueue_indirect_dma source(%dma_start3A_13 : memref<1000000x64xf32, #tpu.memory_space<hbm>>) target(%arg6 : memref<128x64xf32, #tpu.memory_space<vmem>>) offsets(%dma_start3A : memref<128xi32, #tpu.memory_space<vmem>>) semaphore(%arg7 : memref<!tpu.dma_semaphore, #tpu.memory_space<semaphore_mem>>)
      %dma_wait3A = tpu.memref_slice %arg5[%mul3A_10] : memref<6400xi32, #tpu.memory_space<vmem>> -> memref<128xi32, #tpu.memory_space<vmem>>
      %dma_wait3A_14 = arith.constant 0 : i32
      %dma_wait3A_15 = arith.constant 0 : i32
      %dma_wait3A_16 = tpu.memref_slice %arg3[%dma_wait3A_14, %dma_wait3A_15] : memref<1000000x64xf32, #tpu.memory_space<hbm>> -> memref<1000000x64xf32, #tpu.memory_space<hbm>>
      tpu.wait_indirect_dma semaphore(%arg7 : memref<!tpu.dma_semaphore, #tpu.memory_space<semaphore_mem>>) src(%dma_wait3A_16 : memref<1000000x64xf32, #tpu.memory_space<hbm>>) dst(%arg6 : memref<128x64xf32, #tpu.memory_space<vmem>>)
      %mul3A_17 = arith.constant 128 : i32
      %mul3A_18 = arith.muli %scan3A_8, %mul3A_17 : i32
      %add3A_19 = arith.addi %mul3A_2, %mul3A_18 : i32
      %shift_right_logical3A = arith.constant 11 : i32
      %shift_right_logical3A_20 = arith.shrui %add3A_19, %shift_right_logical3A : i32
      %and3A = arith.constant 2047 : i32
      %and3A_21 = arith.andi %add3A_19, %and3A : i32
      %shift_right_logical3A_22 = arith.constant 10 : i32
      %shift_right_logical3A_23 = arith.shrui %and3A_21, %shift_right_logical3A_22 : i32
      %and3A_24 = arith.constant 1023 : i32
      %and3A_25 = arith.andi %and3A_21, %and3A_24 : i32
      %mul3A_26 = arith.constant 1024 : i32
      %mul3A_27 = arith.muli %shift_right_logical3A_20, %mul3A_26 : i32
      %add3A_28 = arith.addi %mul3A_27, %and3A_25 : i32
      %mul3A_29 = arith.constant 64 : i32
      %mul3A_30 = arith.muli %shift_right_logical3A_23, %mul3A_29 : i32
      "tpu.region"() ({
        %run_scoped3A = tpu.sem_alloc : memref<!tpu.dma_semaphore, #tpu.memory_space<semaphore_mem>>
        %dma_start3A_31 = tpu.memref_slice %arg4[%add3A_28, %mul3A_30] : memref<102400x128xf32, #tpu.memory_space<hbm>> -> memref<128x64xf32, #tpu.memory_space<hbm>>
        %dma_start3A_32 = tpu.memref_slice %arg4[%add3A_28, %mul3A_30] : memref<102400x128xf32, #tpu.memory_space<hbm>> -> memref<128x64xf32, #tpu.memory_space<hbm>>
        tpu.enqueue_dma source(%arg6 : memref<128x64xf32, #tpu.memory_space<vmem>>) target(%dma_start3A_32 : memref<128x64xf32, #tpu.memory_space<hbm>>) target_semaphore(%run_scoped3A : memref<!tpu.dma_semaphore, #tpu.memory_space<semaphore_mem>>)
        %dma_wait3A_33 = tpu.memref_slice %arg4[%add3A_28, %mul3A_30] : memref<102400x128xf32, #tpu.memory_space<hbm>> -> memref<128x64xf32, #tpu.memory_space<hbm>>
        %dma_wait3A_34 = tpu.memref_slice %arg4[%add3A_28, %mul3A_30] : memref<102400x128xf32, #tpu.memory_space<hbm>> -> memref<128x64xf32, #tpu.memory_space<hbm>>
        tpu.wait_dma2 semaphore(%run_scoped3A : memref<!tpu.dma_semaphore, #tpu.memory_space<semaphore_mem>>) src(%arg6 : memref<128x64xf32, #tpu.memory_space<vmem>>) dst(%dma_wait3A_34 : memref<128x64xf32, #tpu.memory_space<hbm>>)
        tpu.yield
      }) : () -> ()
    }
    %scan3A_7 = arith.constant 50 : i32
    return
  }
}

module attributes {stable_mosaic.version = 14 : i64} {
  func.func @_mm_body(%arg0: i32, %arg1: memref<1024x128xf32, #tpu.memory_space<vmem>>, %arg2: memref<128x1536xf32, #tpu.memory_space<vmem>>, %arg3: memref<1x1536xf32, #tpu.memory_space<vmem>>, %arg4: memref<2048x768xf32, #tpu.memory_space<vmem>>) attributes {dimension_semantics = [#tpu.dimension_semantics<arbitrary>], iteration_bounds = array<i64: 100>, scalar_prefetch = 0 : i64, scratch_operands = 0 : i64, tpu.core_type = #tpu.core_type<tc>, window_params = [{transform_indices = @transform_0, window_bounds = array<i64: 1024, 128>}, {pipeline_mode = #tpu.pipeline_mode<synchronous>, transform_indices = @transform_1, window_bounds = array<i64: 128, 1536>}, {pipeline_mode = #tpu.pipeline_mode<synchronous>, transform_indices = @transform_2, window_bounds = array<i64: 1, 1536>}, {transform_indices = @transform_3, window_bounds = array<i64: 2048, 768>}]} {
    %get3A = arith.constant 0 : index
    %get3A_0 = arith.constant 0 : index
    %get3A_1 = vector.load %arg1[%get3A, %get3A_0] : memref<1024x128xf32, #tpu.memory_space<vmem>>, vector<1024x128xf32>
    %get3A_2 = arith.constant 0 : index
    %get3A_3 = arith.constant 0 : index
    %get3A_4 = vector.load %arg2[%get3A_2, %get3A_3] : memref<128x1536xf32, #tpu.memory_space<vmem>>, vector<128x1536xf32>
    %dot_general3A = arith.constant dense<0.000000e+00> : vector<1024x1536xf32>
    %dot_general3A_5 = tpu.matmul %get3A_1, %get3A_4, %dot_general3A {dimension_numbers = #tpu.dot_dimension_numbers<[1], [0], [0], [1], [0, 0, 1, 1], [], []>, transpose_lhs_hint = false} : vector<1024x128xf32>, vector<128x1536xf32>, vector<1024x1536xf32> -> vector<1024x1536xf32>
    %get3A_6 = arith.constant 0 : index
    %get3A_7 = arith.constant 0 : index
    %get3A_8 = vector.load %arg3[%get3A_6, %get3A_7] : memref<1x1536xf32, #tpu.memory_space<vmem>>, vector<1x1536xf32>
    %add3A = vector.broadcast %get3A_8 : vector<1x1536xf32> to vector<1024x1536xf32>
    %add3A_9 = arith.addf %dot_general3A_5, %add3A : vector<1024x1536xf32>
    %slice3A = vector.extract_strided_slice %add3A_9 {offsets = [0, 0], sizes = [1024, 768], strides = [1, 1]} : vector<1024x1536xf32> to vector<1024x768xf32>
    %swap3A = arith.constant 0 : index
    %swap3A_10 = arith.constant 0 : index
    %swap3A_11 = vector.load %arg4[%swap3A, %swap3A_10] : memref<2048x768xf32, #tpu.memory_space<vmem>>, vector<1024x768xf32>
    tpu.vector_store %arg4[%swap3A, %swap3A_10], %slice3A {strides = array<i32>} : memref<2048x768xf32, #tpu.memory_space<vmem>>, vector<1024x768xf32>,
    %slice3A_12 = vector.extract_strided_slice %add3A_9 {offsets = [0, 768], sizes = [1024, 768], strides = [1, 1]} : vector<1024x1536xf32> to vector<1024x768xf32>
    %swap3A_13 = arith.constant 1024 : index
    %swap3A_14 = arith.constant 0 : index
    %swap3A_15 = vector.load %arg4[%swap3A_13, %swap3A_14] : memref<2048x768xf32, #tpu.memory_space<vmem>>, vector<1024x768xf32>
    tpu.vector_store %arg4[%swap3A_13, %swap3A_14], %slice3A_12 {strides = array<i32>} : memref<2048x768xf32, #tpu.memory_space<vmem>>, vector<1024x768xf32>,
    return
  }
  func.func @transform_0(%arg0: i32) -> (i32, i32) {
    %c0_i32 = arith.constant 0 : i32
    %c0_i32_0 = arith.constant 0 : i32
    return %arg0, %c0_i32 : i32, i32
  }
  func.func @transform_1(%arg0: i32) -> (i32, i32) {
    %c0_i32 = arith.constant 0 : i32
    %c0_i32_0 = arith.constant 0 : i32
    %c0_i32_1 = arith.constant 0 : i32
    return %c0_i32, %c0_i32_0 : i32, i32
  }
  func.func @transform_2(%arg0: i32) -> (i32, i32) {
    %c0_i32 = arith.constant 0 : i32
    %c0_i32_0 = arith.constant 0 : i32
    %c0_i32_1 = arith.constant 0 : i32
    return %c0_i32, %c0_i32_0 : i32, i32
  }
  func.func @transform_3(%arg0: i32) -> (i32, i32) {
    %c0_i32 = arith.constant 0 : i32
    %c0_i32_0 = arith.constant 0 : i32
    return %arg0, %c0_i32 : i32, i32
  }
}

</mosaic_0001>

<sc_bundles>
// kernel: kernel.4.cloned.1.call-start
scs
__scs_entry_jumppad:
0x0: {  	(pc) =	sbr.rel $0x88, $3  }
0x1: {  	(tag) =	ssettag $0x0;
	lr =	simm.s32 $0x1  }
0x2: {  	[smem:$0x3F9D] =	sst lr;
	_ =	strace $0xD0000000  }
0x3: {  	_ = 	snop  }
0x4: {  	_ = 	snop  }
0x5: {  	_ = 	snop  }
0x6: {  	_ = 	snop  }
0x7: {  	_ = 	snop  }
__scs_overlays_trampoline_lowered:
0x8: {  	[smem:$0x3FAC] =	sst s0  }
0x9: {  	[smem:$0x3FAD] =	sst s1  }
0xa: {  	[smem:$0x3FAE] =	sst s2  }
0xb: {  	[smem:$0x3FAF] =	sst s3  }
0xc: {  	[smem:$0x3FB0] =	sst s4  }
0xd: {  	[smem:$0x3FB1] =	sst s5  }
0xe: {  	[smem:$0x3FB2] =	sst s6  }
0xf: {  	[smem:$0x3FB3] =	sst s7  }
0x10: {  	[smem:$0x3FB4] =	sst s8  }
0x11: {  	[smem:$0x3FB5] =	sst s9;
	s0 =	simm.s32 @!p0 $0x0  }
0x12: {  	s1 =	sld [smem:$0x3F9B];
	s0 =	simm.s32 @p0 $0x1  }
0x13: {  	[smem:$0x3FB6] =	sst s0;
	s0 =	simm.s32 @!p1 $0x0  }
0x14: {  	s2 =	sld [smem:$0x3F9A];
	s0 =	simm.s32 @p1 $0x1  }
0x15: {  	[smem:$0x3FB7] =	sst s0;
	s0 =	simm.s32 @!p2 $0x0  }
0x16: {  	s3 =	sld [smem:$0x3FDB];
	s0 =	simm.s32 @p2 $0x1  }
0x17: {  	s4 =	simm.s32 $0x1BF5;
	[smem:$0x3FB9] =	sst s0  }
0x18: {  	s0 =	sld [smem:$0x3F9C];
	_ =	swait.ge [sflag:s4], $0x0  }
0x19: {  	s7 =	sld [smem:$0x3F9D]  }
0x1a: {  	s8 =	sadd.s32 $0xFFFFE003, lr  }
0x1b: {  	s9 =	sadd.s32 $0xFFFFFEF7, lr;
	s5 =	simm.s32 $0xFFFFFFFF;
	p2 =	slt.u32 s8, $0xFFFFF086  }
0x1c: {  	p1 =	slt.u32 s9, $0xF7A;
	s5 =	simm.s32 @!p2 $0x0  }
0x1d: {  	s5 =	simm.s32 @p1 $0x1;
	p0 =	seq.s32 s7, s2  }
0x1e: {  	s7 =	smul.u32 @!p0 $0xF7A, s2;
	p2 =	seq.s32 @!p0 s5, $0x0  }
0x1f: {  	s9 =	smul.u32 $0xF7A, s1;
	s8 =	simm.s32 @!p0 $0x1BF5;
	p2 =	por !p2, p0  }
0x20: {  	[sflag:s8] =	ssyncset.s32 @!p0 $0xFFFFF086;
	s6 =	sadd.s32 @!p0 s3, s7;
	s7 =	simm.s32 @!p0 $0x108  }
0x21: {  	s3 =	sadd.s32 s3, s9;
	s6 =	sadd.s32 @!p0 $0x88, s6;
	s7 =	simm.s32 @p2 $0x1082  }
0x22: {  	[simem:s7], [sflag:s8] =	dma.local @!p0 [hbm:s6], $0xF7A  }
0x23: {  	s9 =	sor.u32 $0xD0000000, s2;
	s6 =	simm.s32 $0x108;
	_ =	swait.ge @!p0 [sflag:s8], $0x0  }
0x24: {  	s3 =	sadd.s32 $0x88, s3;
	s6 =	simm.s32 @!p1 $0x1082;
	[sflag:s4] =	ssyncset.s32 $0xFFFFF086  }
0x25: {  	[simem:s6], [sflag:s4] =	dma.local [hbm:s3], $0xF7A  }
0x26: {  	[smem:$0x3F9D] =	sst s1;
	(tag) =	ssettag s2;
	_ =	strace s9  }
0x27: {  	s1 =	sld [smem:$0x3FAD]  }
0x28: {  	s2 =	sld [smem:$0x3FAE]  }
0x29: {  	s4 =	sld [smem:$0x3FB0]  }
0x2a: {  	p0 =	seq.s32 s5, $0x0;
	s5 =	sld [smem:$0x3FB1]  }
0x2b: {  	s6 =	sld [smem:$0x3FB2]  }
0x2c: {  	s7 =	sld [smem:$0x3FB3]  }
0x2d: {  	s3 =	simm.s32 $0x108;
	s8 =	sld [smem:$0x3FB4]  }
0x2e: {  	s3 =	simm.s32 @!p0 $0x1082;
	s9 =	sld [smem:$0x3FB5]  }
0x2f: {  	lr =	sadd.s32 s0, s3;
	s0 =	sld [smem:$0x3FAC]  }
0x30: {  	s3 =	sld [smem:$0x3FAF]  }
0x31: {  	[smem:$0x3FB8] =	sst s10  }
0x32: {  	s10 =	sld [smem:$0x3FB6];
	_ =	sdelay $0x3  }
0x33: {  	p0 =	seq.s32 s10, $0x1;
	s10 =	sld [smem:$0x3FB8];
	_ =	sdelay $0x3  }
0x34: {  	[smem:$0x3FB8] =	sst s10  }
0x35: {  	s10 =	sld [smem:$0x3FB7];
	_ =	sdelay $0x3  }
0x36: {  	p1 =	seq.s32 s10, $0x1;
	s10 =	sld [smem:$0x3FB8];
	_ =	sdelay $0x3  }
0x37: {  	[smem:$0x3FB8] =	sst s10  }
0x38: {  	s10 =	sld [smem:$0x3FB9]  }
0x39: {  	_ = 	snop;
	(pc) =	sbr.ind lr, $3  }
0x3a: {  	_ = 	snop  }
0x3b: {  	_ = 	snop  }
0x3c: {  	p2 =	seq.s32 s10, $0x1;
	s10 =	sld [smem:$0x3FB8]  }
0x3d: {  	_ =	shalt  }
0x3e: {  	_ =	shalt  }
0x3f: {  	_ =	shalt  }
0x40: {  	_ =	shalt  }
0x41: {  	_ =	shalt  }
0x42: {  	_ =	shalt  }
0x43: {  	_ =	shalt  }
0x44: {  	_ =	shalt  }
0x45: {  	_ =	shalt  }
0x46: {  	_ =	shalt  }
0x47: {  	_ =	shalt  }
0x48: {  	_ =	shalt  }
0x49: {  	_ =	shalt  }
0x4a: {  	_ =	shalt  }
0x4b: {  	_ =	shalt  }
0x4c: {  	_ =	shalt  }
0x4d: {  	_ =	shalt  }
0x4e: {  	_ =	shalt  }
0x4f: {  	_ =	shalt  }
0x50: {  	_ =	shalt  }
0x51: {  	_ =	shalt  }
0x52: {  	_ =	shalt  }
0x53: {  	_ =	shalt  }
0x54: {  	_ =	shalt  }
0x55: {  	_ =	shalt  }
0x56: {  	_ =	shalt  }
0x57: {  	_ =	shalt  }
0x58: {  	_ =	shalt  }
0x59: {  	_ =	shalt  }
0x5a: {  	_ =	shalt  }
0x5b: {  	_ =	shalt  }
0x5c: {  	_ =	shalt  }
0x5d: {  	_ =	shalt  }
0x5e: {  	_ =	shalt  }
0x5f: {  	_ =	shalt  }
0x60: {  	_ =	shalt  }
0x61: {  	_ =	shalt  }
0x62: {  	_ =	shalt  }
0x63: {  	_ =	shalt  }
0x64: {  	_ =	shalt  }
0x65: {  	_ =	shalt  }
0x66: {  	_ =	shalt  }
0x67: {  	_ =	shalt  }
0x68: {  	_ =	shalt  }
0x69: {  	_ =	shalt  }
0x6a: {  	_ =	shalt  }
0x6b: {  	_ =	shalt  }
0x6c: {  	_ =	shalt  }
0x6d: {  	_ =	shalt  }
0x6e: {  	_ =	shalt  }
0x6f: {  	_ =	shalt  }
0x70: {  	_ =	shalt  }
0x71: {  	_ =	shalt  }
0x72: {  	_ =	shalt  }
0x73: {  	_ =	shalt  }
0x74: {  	_ =	shalt  }
0x75: {  	_ =	shalt  }
0x76: {  	_ =	shalt  }
0x77: {  	_ =	shalt  }
0x78: {  	_ =	shalt  }
0x79: {  	_ =	shalt  }
0x7a: {  	_ =	shalt  }
0x7b: {  	_ =	shalt  }
0x7c: {  	_ =	shalt  }
0x7d: {  	_ =	shalt  }
0x7e: {  	_ =	shalt  }
0x7f: {  	_ =	shalt  }
0x80: {  	_ =	shalt  }
0x81: {  	_ =	shalt  }
0x82: {  	_ =	shalt  }
0x83: {  	_ =	shalt  }
0x84: {  	_ =	shalt  }
0x85: {  	_ =	shalt  }
0x86: {  	_ =	shalt  }
0x87: {  	_ =	shalt  }
.Lfunc_end0:
.L_simem_size_0:
called_computation_lowered:
.L_overlay_start_0:
0x88: {  	s2 =	sld [smem:$0x3FD9]  }
0x89: {  	s3 =	sld [smem:$0x3FFE];
	_ =	sdelay $0x1  }
0x8a: {  	s1 =	srdreg.scid  }
0x8b: {  	s0 =	sand.u32 $0x1, s1  }
0x8c: {  	s17 =	sshll.u32 s0, $0xA;
	s2 =	sadd.s32 s3, s2  }
0x8d: {  	s2 =	sadd.s32 s2, s17  }
0x8e: {  	[smem:$0x3FC4] =	sst s2  }
0x8f: {  	_ = 	snop  }
0x90: {  	s2 =	sld [smem:$0x3FD0];
	(tm) =	ssettm $0x1  }
0x91: {  	s18 =	sld [smem:$0x3FFB];
	_ =	sdelay $0x3  }
0x92: {  	_ =	strace s18  }
0x93: {  	s3 =	sld [smem:$0x3FFC];
	_ =	sdelay $0x3  }
0x94: {  	_ =	strace s3  }
0x95: {  	s3 =	sld [smem:$0x3FFD];
	_ =	sdelay $0x3  }
0x96: {  	_ =	strace s3  }
0x97: {  	_ =	strace $0x8FFFFFFF  }
0x98: {  	s19 =	sld [smem:$0x3FDB];
	_ =	sdelay $0x1  }
0x99: {  	s4 =	simm.s32 $_scs_section_size  }
0x9a: {  	s5 =	simm.s32 $_size__tile_overlayer_lowered;
	s6 =	simm.s32 $_tile_overlayer_lowered  }
0x9b: {  	s22 =	simm.s32 $0x1BFF;
	s21 =	sshll.u32 s6, $0x1;
	s3 =	sadd.s32 s4, s19  }
0x9c: {  	s7 =	simm.s32 $0x0;
	s20 =	sshll.u32 s5, $0x1;
	s5 =	sadd.s32 s21, s3  }
0x9d: {  	[timem:s7], [sflag:s22] =	dma.local [hbm:s5], s20  }
0x9e: {  	_ =	swait.ge [sflag:s22], s20  }
0x9f: {  	s4 =	ssub.s32 $0x0, s20;
	[sflag:s22] =	ssyncset.done $0x0  }
0xa0: {  	[sflag:s22] =	ssyncadd.s32 s4;
	_ =	sdelay $0x1  }
0xa1: {  	s23 =	simm.s32 $0x1B8B  }
0xa2: {  	_ =	swait.ge [sflag:s23], $0x1  }
0xa3: {  	[sflag:s23] =	ssyncset.done $0x0  }
0xa4: {  	s25 =	simm.s32 $0x1B8E;
	s24 =	sld [smem:$0x3FFE];
	[sflag:s23] =	ssyncadd.s32 $0xFFFFFFFF  }
0xa5: {  	s26 =	simm.s32 $execute0_lowered;
	[smem:$0x3FD2] =	sst s25  }
0xa6: {  	s5 =	sshll.u32 s26, $0x1;
	_ =	strace $0x80000046;
	[dreg:$0x1] =	wrdreg $0xFFFFFFFF  }
0xa7: {  	s28 =	simm.s32 $_size_execute0_lowered;
	s3 =	sadd.s32 s3, s5;
	[dreg:$0x0] =	wrdreg $0x0  }
0xa8: {  	s5 =	sshll.u32 s28, $0x1;
	[dreg:$0x2] =	wrdreg s3  }
0xa9: {  	[dreg:$0x3] =	wrdreg s5  }
0xaa: {  	[dreg:$0x4] =	wrdreg $0xC0  }
0xab: {  	_ =	task [dreg:s7], $0x5FFFF  }
0xac: {  	[dreg:$0x1] =	wrdreg $0xFFFFFFFF  }
0xad: {  	[dreg:$0x0] =	wrdreg $0x60  }
0xae: {  	[dreg:$0x2] =	wrdreg s2  }
0xaf: {  	[dreg:$0x3] =	wrdreg s24  }
0xb0: {  	[dreg:$0x4] =	wrdreg $0x9  }
0xb1: {  	_ =	task.clear_ibuf [dreg:s7], $0x5FFFF;
	_ =	strace $0x90000046  }
0xb2: {  	s29 =	simm.s32 $0x9;
	_ =	strace $0x80000048  }
0xb3: {  	_ =	swait.ge [sflag:s29], $0x1  }
0xb4: {  	[sflag:s29] =	ssyncadd.s32 $0xFFFFFFFF  }
0xb5: {  	_ =	strace $0x90000048  }
0xb6: {  	_ =	sfence  }
0xb7: {  	s30 =	sld [smem:$0x0];
	_ =	sdelay $0x2  }
0xb8: {  	s31 =	sshll.u32 s1, $0xD;
	s1 =	sshrl.u32 s1, $0x2  }
0xb9: {  	s3 =	sand.u32 $0x4000, s31;
	s1 =	sadd.s32 s1, s30  }
0xba: {  	s0 =	sor.u32 s3, s0;
	s1 =	sshll.u32 s1, $0x11  }
0xbb: {  	s0 =	sor.u32 s1, s0  }
0xbc: {  	s0 =	sadd.s32 $0x8F2B, s0  }
0xbd: {  	[sflag:s0] =	ssyncadd.remote.s32 $0x1  }
0xbe: {  	_ =	sfence.sel $0xFFFF  }
0xbf: {  	[dreg:$0x0] =	wrdreg $0xFFFFFFFF;
	(pc) =	sbr.abs _section_cstart, $3  }
0xc0: {  	[dreg:$0x1] =	wrdreg $0xFFFFFFFF  }
0xc1: {  	_ =	task.clear_ibuf [dreg:s7], $0x2FFFF;
	_ =	strace $0x9FFFFFFF  }
0xc2: {  	(tm) =	ssettm $0x7FFFFFFF  }
0xc3: {  	_ =	shalt  }
tec
execute0_lowered:
.L_overlay_start_1:
0x0: {  	(tag) =	ssettag $0x1  }
0x1: {  	s5 =	rddreg [dreg:$0x0];
	s1 =	srdreg.scid  }
0x2: {  	s0 =	stileid.u32;
	s4 =	rddreg [dreg:$0x1]  }
0x3: {  	s2 =	simm.s32 $0x0;
	s11 =	simm.s32 $0x80;
	s12 =	simm.s32 $0x1900  }
0x4: {  	s13 =	simm.s32 $0x1;
	s14 =	simm.s32 $0x40;
	s15 =	simm.s32 $0x0  }
0x5: {  	s6 =	sand.u32 $0x1, s1;
	s3 =	sshll.u32 s0, $0x1;
	s1 =	rddreg [dreg:$0x2]  }
0x6: {  	[smem:$0x7FF] =	sst s2;
	s8 =	smul.u32 $0x3200, s0;
	s3 =	sor.u32 s6, s3  }
0x7: {  	_ =	strace $0x80000047;
	s9 =	ssub.s32 $0x2, s6;
	s6 =	smul.u32 $0x1900, s6  }
0x8: {  	s7 =	smul.u32 $0x1900, s3;
	s3 =	sadd.s32 $0xA00, s4;
	s10 =	sshrl.u32 s9, $0x1  }
0x9: {  	s4 =	sadd.s32 $0x7A1C00, s4;
	s9 =	ssub.s32 s9, s10;
	s6 =	sadd.s32 s6, s8  }
0xa: {  	s10 =	simm.s32 $0x2;
	s7 =	sshrl.u32 s7, $0x3;
	s8 =	sshrl.u32 s6, $0x4  }
0xb: {  	s5 =	sadd.s32 s5, s7;
	s7 =	smax.u32 s9, $0x1;
	s9 =	sshrl.u32 s6, $0x1  }
.LBB2_1:
0xc: {  	[tilespmem:s2], [sflag:$0x2] =	stream.linear.gather [hbm4b:s5+s2], $0x1900, $0x38;
	[tilespmem:$0x3900] =	vst v63  }
0xd: {  	s16 =	sand.u32 $0x1FFFC00, s9;
	s17 =	sand.u32 $0x380, s6;
	_ =	swait.ge [sflag:s10], $0x1900  }
0xe: {  	s31 =	sadd.s32 $0x0, s8;
	s16 =	sor.u32 s17, s16;
	[sflag:s10] =	ssyncset.done $0x0  }
0xf: {  	s17 =	sand.u32 $0x40, s31;
	s16 =	sshll.u32 s16, $0x7;
	[sflag:s10] =	ssyncadd.s32 $0xFFFFE700  }
0x10: {  	[tilespmem:s12], [sflag:$0x1] =	stream.indirect.gather [hbm4b:s3+s11], $0x40, s2, s11, $0xb8;
	[tilespmem:$0x3900] =	vst v63  }
0x11: {  	s18 =	simm.s32 $0x10;
	s16 =	sor.u32 s17, s16;
	_ =	swait.ge [sflag:s13], $0x2000  }
0x12: {  	s19 =	sadd.s32 $0x40, s9;
	s16 =	sshrl.u32 s16, $0x3;
	[sflag:s13] =	ssyncset.done $0x0  }
0x13: {  	s20 =	sadd.s32 $0x80, s6;
	s16 =	sadd.s32 s4, s16;
	[sflag:s13] =	ssyncadd.s32 $0xFFFFE000  }
0x14: {  	[hbm4b:s16+s14] =	stream.strided.scatter [tilespmem:s12], [sflag:$0x2], $0x2000, s11, s14, $0x38;
	[tilespmem:$0x3900] =	vst v63  }
0x15: {  	s17 =	simm.s32 $0x8;
	s16 =	simm.s32 $0x80;
	_ =	swait.ge [sflag:s10], $0x2000  }
.LBB2_2:
0x16: {  	s21 =	sand.u32 $0x1FFFC00, s19;
	s22 =	sand.u32 $0x380, s20  }
0x17: {  	[sflag:s10] =	ssyncset.done $0x0;
	s23 =	smov.u32 s17;
	s17 =	smov.u32 s18  }
0x18: {  	s21 =	sor.u32 s22, s21;
	s22 =	sadd.s32 s23, s8;
	[sflag:s10] =	ssyncadd.s32 $0xFFFFE000  }
0x19: {  	p0 =	sne.s32 s18, $0x188;
	s21 =	sshll.u32 s21, $0x7;
	s22 =	sand.u32 $0x40, s22  }
0x1a: {  	[tilespmem:s12], [sflag:$0x1] =	stream.indirect.gather [hbm4b:s3+s11], $0x40, s16, s11, $0xb8;
	[tilespmem:$0x3900] =	vst v63  }
.Ltmp0:
0x1b: {  	s21 =	sor.u32 s22, s21;
	_ =	swait.ge [sflag:s13], $0x2000;
	(pc) =	sbr.rel @p0 .LBB2_2-.Ltmp0, $4  }
0x1c: {  	s18 =	sadd.s32 $0x8, s18;
	s21 =	sshrl.u32 s21, $0x3;
	[sflag:s13] =	ssyncset.done $0x0  }
0x1d: {  	s16 =	sadd.s32 $0x80, s16;
	s21 =	sadd.s32 s4, s21;
	[sflag:s13] =	ssyncadd.s32 $0xFFFFE000  }
0x1e: {  	[hbm4b:s21+s14] =	stream.strided.scatter [tilespmem:s12], [sflag:$0x2], $0x2000, s11, s14, $0x38;
	[tilespmem:$0x3900] =	vst v63  }
0x1f: {  	s19 =	sadd.s32 $0x40, s19;
	s20 =	sadd.s32 $0x80, s20;
	_ =	swait.ge [sflag:s10], $0x2000  }
0x20: {  	s18 =	sand.u32 $0x1FFFC00, s19;
	s30 =	sand.u32 $0x380, s20  }
0x21: {  	[sflag:s10] =	ssyncset.done $0x0;
	s17 =	sadd.s32 s17, s8;
	s18 =	sor.u32 s30, s18  }
0x22: {  	[sflag:s10] =	ssyncadd.s32 $0xFFFFE000;
	s17 =	sand.u32 $0x40, s17;
	s18 =	sshll.u32 s18, $0x7  }
0x23: {  	[tilespmem:s12], [sflag:$0x1] =	stream.indirect.gather [hbm4b:s3+s11], $0x40, s16, s11, $0xb8;
	[tilespmem:$0x3900] =	vst v63  }
0x24: {  	s15 =	sadd.s32 $0x1, s15;
	_ =	swait.ge [sflag:s13], $0x2000;
	s31 =	sor.u32 s17, s18  }
0x25: {  	p0 =	sne.s32 s15, s7;
	[sflag:s13] =	ssyncset.done $0x0;
	s16 =	sshrl.u32 s31, $0x3  }
.Ltmp1:
0x26: {  	[sflag:s13] =	ssyncadd.s32 $0xFFFFE000;
	s16 =	sadd.s32 s4, s16;
	(pc) =	sbr.rel @p0 .LBB2_1-.Ltmp1, $4  }
0x27: {  	[hbm4b:s16+s14] =	stream.strided.scatter [tilespmem:s12], [sflag:$0x2], $0x2000, s11, s14, $0x38;
	[tilespmem:$0x3900] =	vst v63  }
0x28: {  	_ =	swait.ge [sflag:s10], $0x2000  }
0x29: {  	[sflag:s10] =	ssyncset.done $0x0  }
0x2a: {  	[sflag:s10] =	ssyncadd.s32 $0xFFFFE000  }
0x2b: {  	_ =	sfence.sel $0x180000  }
0x2c: {  	[bflag:$0x0] =	sbarrier.arrive $0xFFFF  }
0x2d: {  	p0 =	sne.s32 s0, $0x0;
	_ =	strace $0x90000047  }
0x2e: {  	s0 =	sadd.s32 @!p0 $0x100000, s1;
	[bflag:$0x2] =	sbarrier.arrive $0xFFFF  }
0x2f: {  	[sflag:s0] =	ssyncadd.tile.s32 @!p0 $0x1;
	_ =	shalt  }
.Lfunc_end2:
_tile_overlayer_lowered:
.L_overlay_start_2:
0x30: {  	(tag) =	ssettag $0x2  }
0x31: {  	s0 =	rddreg [dreg:$0x0];
	s2 =	stileid.u32  }
0x32: {  	s1 =	rddreg [dreg:$0x1];
	p0 =	sne.s32 s2, $0x0  }
0x33: {  	s3 =	rddreg [dreg:$0x2];
	[bflag:$0x3] =	sbarrier.arrive $0xFFFF;
	s2 =	simm.s32 @!p0 $0x1C02  }
0x34: {  	[timem:s3], [sflag:s2] =	dma.local @!p0 [hbm:s0], s1  }
0x35: {  	s0 =	simm.s32 @!p0 $0x2  }
0x36: {  	_ =	swait.ge @!p0 [sflag:s0], s1  }
0x37: {  	s1 =	ssub.s32 @!p0 $0x0, s1;
	[sflag:s0] =	ssyncset.done @!p0 $0x0  }
0x38: {  	[sflag:s0] =	ssyncadd.s32 @!p0 s1  }
0x39: {  	[bflag:$0x3] =	sbarrier.arrive $0xFFFF  }
0x3a: {  	_ =	shalt  }

</sc_bundles>
